<compile_context>
chip_gen: v7x
topology: tpu7x:2x2x1
jax: 0.10.2.dev20260603
libtpu: 0.0.44.dev20260713+nightly
codegen_flags: <defaults>
</compile_context>

<pallas_src>
import functools

import jax
import jax.numpy as jnp
from jax import lax
from jax.experimental import pallas as pl
from jax.experimental.pallas import tpu as pltpu, tpu_sc as plsc

_B = 16384
_D = 32
_V = 1000000
_BLK = 65536
_NW = 32
_BPW = _B // _NW
_CHUNK = 128
_NCH = _BPW // _CHUNK
_L = 16

_sc_mesh = plsc.VectorSubcoreMesh(core_axis_name="c", subcore_axis_name="s")


def _matvec_body(u_ref, t_ref, s_ref):
    s_ref[...] = jnp.dot(
        u_ref[...], t_ref[...], preferred_element_type=jnp.float32
    ).reshape(_BLK)


def _matvec(tt, user):
    grid = (_V + _BLK - 1) // _BLK
    return pl.pallas_call(
        _matvec_body,
        grid=(grid,),
        in_specs=[
            pl.BlockSpec((1, _D), lambda i: (0, 0)),
            pl.BlockSpec((_D, _BLK), lambda i: (0, i)),
        ],
        out_specs=pl.BlockSpec((_BLK,), lambda i: (i,)),
        out_shape=jax.ShapeDtypeStruct((_V,), jnp.float32),
    )(user, tt)


@functools.partial(
    pl.kernel,
    mesh=_sc_mesh,
    out_type=jax.ShapeDtypeStruct((_B,), jnp.float32),
    compiler_params=pltpu.CompilerParams(
        needs_layout_passes=False, use_tc_tiling_on_sc=False
    ),
    scratch_types=[
        pltpu.VMEM((_NCH, _CHUNK), jnp.int32),
        pltpu.VMEM((_BPW,), jnp.float32),
        pltpu.VMEM((_BPW,), jnp.float32),
        pltpu.SemaphoreType.DMA,
    ],
)
def _gather_sigmoid(idx_hbm, s_hbm, out_hbm, idx_v, g_v, out_v, sem):
    wid = lax.axis_index("s") * 2 + lax.axis_index("c")
    base = wid * _BPW

    pltpu.sync_copy(idx_hbm.at[pl.ds(wid * _NCH, _NCH)], idx_v)

    copies = []
    for j in range(_NCH):
        copies.append(
            pltpu.async_copy(
                s_hbm.at[idx_v.at[j]], g_v.at[pl.ds(j * _CHUNK, _CHUNK)], sem
            )
        )
    for c in copies:
        c.wait()

    def body(g, carry):
        r0 = pl.multiple_of(g * _L, _L)
        x = g_v[pl.ds(r0, _L)]
        out_v[pl.ds(r0, _L)] = 1.0 / (1.0 + jnp.exp(-x))
        return carry

    lax.fori_loop(0, _BPW // _L, body, 0)

    pltpu.sync_copy(out_v, out_hbm.at[pl.ds(base, _BPW)])


def kernel(item_indices, item_table, user_table):
    tt = item_table.T
    s = _matvec(tt, user_table)
    idx = item_indices.astype(jnp.int32).reshape(_NW * _NCH, _CHUNK)
    return _gather_sigmoid(idx, s)

# --- scband reference (transcript-rebuilt; emitter-appended) ---
"""Pipeline reference for scband-fcf-17910013624479 (READ-ONLY COPY).

The authoritative reference and input builder live on the scoring server;
editing this copy changes nothing except your own understanding.
"""

import jax, jax.numpy as jnp
import numpy as np

NUM_ITEMS = 1000000
LATENT_DIM = 32
BATCH = 16384

def setup_inputs(seed: int = 0) -> dict:
    key = jax.random.key(seed)
    k1, k2, k3 = jax.random.split(key, 3)
    item_indices = jax.random.randint(k1, (BATCH,), 0, NUM_ITEMS, dtype=jnp.int64 if jax.config.jax_enable_x64 else jnp.int32)
    item_table = (jax.random.normal(k2, (NUM_ITEMS, LATENT_DIM), dtype=jnp.float32) * 0.01) / (LATENT_DIM ** 0.5)
    user_table = (jax.random.normal(k3, (1, LATENT_DIM), dtype=jnp.float32) * 0.01) / (LATENT_DIM ** 0.5)
    return {"item_indices": item_indices, "item_table": item_table, "user_table": user_table}

def reference(item_indices, item_table, user_table):
    # embedding lookup (gather)
    item_embeddings = jnp.take(item_table, item_indices, axis=0)  # [B, D]
    user_embedding = user_table  # [1, D], broadcasts
    rating = user_embedding * item_embeddings  # [B, D]
    rating = jnp.sum(rating, axis=1)  # [B]
    rating = jax.nn.sigmoid(rating)
    return rating

if __name__ == "__main__":
    import jax
    _d = setup_inputs()
    print(jax.jit(kernel)(*tuple(_d.values())))

</pallas_src>

<mosaic_0001>
#map = affine_map<(d0, d1) -> (0, 0)>
#map1 = affine_map<(d0, d1) -> (0)>
module attributes {stable_mosaic.version = 14 : i64} {
  func.func @_gather_sigmoid(%arg0: i32, %arg1: i32, %arg2: memref<128x128xi32, #tpu.memory_space<hbm>>, %arg3: memref<1000000xf32, #tpu.memory_space<hbm>>, %arg4: memref<16384xf32, #tpu.memory_space<hbm>>, %arg5: memref<4x128xi32, #tpu.memory_space<vmem>>, %arg6: memref<512xf32, #tpu.memory_space<vmem>>, %arg7: memref<512xf32, #tpu.memory_space<vmem>>, %arg8: memref<!tpu.dma_semaphore, #tpu.memory_space<semaphore_mem>>) attributes {dimension_semantics = [#tpu.dimension_semantics<core_parallel>, #tpu.dimension_semantics<subcore_parallel>], iteration_bounds = array<i64: 2, 16>, scalar_prefetch = 0 : i64, scratch_operands = 4 : i64, tpu.core_type = #tpu.core_type<sc_vector_subcore>, window_params = [{transform_indices = #map}, {transform_indices = #map1}, {transform_indices = #map1}]} {
    %mul3A = arith.constant 2 : i32
    %mul3A_0 = arith.muli %arg1, %mul3A : i32
    %add3A = arith.addi %mul3A_0, %arg0 : i32
    %mul3A_1 = arith.constant 512 : i32
    %mul3A_2 = arith.muli %add3A, %mul3A_1 : i32
    %mul3A_3 = arith.constant 4 : i32
    %mul3A_4 = arith.muli %add3A, %mul3A_3 : i32
    "tpu.region"() ({
      %run_scoped3A = tpu.sem_alloc : memref<!tpu.dma_semaphore, #tpu.memory_space<semaphore_mem>>
      %dma_start3A_72 = arith.constant 0 : i32
      %dma_start3A_73 = tpu.memref_slice %arg2[%mul3A_4, %dma_start3A_72] : memref<128x128xi32, #tpu.memory_space<hbm>> -> memref<4x128xi32, #tpu.memory_space<hbm>>
      %dma_start3A_74 = arith.constant 0 : i32
      %dma_start3A_75 = tpu.memref_slice %arg2[%mul3A_4, %dma_start3A_74] : memref<128x128xi32, #tpu.memory_space<hbm>> -> memref<4x128xi32, #tpu.memory_space<hbm>>
      tpu.enqueue_dma source(%dma_start3A_75 : memref<4x128xi32, #tpu.memory_space<hbm>>) target(%arg5 : memref<4x128xi32, #tpu.memory_space<vmem>>) target_semaphore(%run_scoped3A : memref<!tpu.dma_semaphore, #tpu.memory_space<semaphore_mem>>)
      %dma_wait3A_76 = arith.constant 0 : i32
      %dma_wait3A_77 = tpu.memref_slice %arg2[%mul3A_4, %dma_wait3A_76] : memref<128x128xi32, #tpu.memory_space<hbm>> -> memref<4x128xi32, #tpu.memory_space<hbm>>
      %dma_wait3A_78 = arith.constant 0 : i32
      %dma_wait3A_79 = tpu.memref_slice %arg2[%mul3A_4, %dma_wait3A_78] : memref<128x128xi32, #tpu.memory_space<hbm>> -> memref<4x128xi32, #tpu.memory_space<hbm>>
      tpu.wait_dma2 semaphore(%run_scoped3A : memref<!tpu.dma_semaphore, #tpu.memory_space<semaphore_mem>>) src(%dma_wait3A_79 : memref<4x128xi32, #tpu.memory_space<hbm>>) dst(%arg5 : memref<4x128xi32, #tpu.memory_space<vmem>>)
      tpu.yield
    }) : () -> ()
    %dma_start3A = arith.constant 0 : i32
    %dma_start3A_5 = arith.constant 0 : i32
    %dma_start3A_6 = tpu.memref_slice %arg6[%dma_start3A_5] : memref<512xf32, #tpu.memory_space<vmem>> -> memref<128xf32, #tpu.memory_space<vmem>>
    %dma_start3A_7 = arith.constant 0 : i32
    %dma_start3A_8 = tpu.memref_slice %arg5[%dma_start3A, %dma_start3A_7] : memref<4x128xi32, #tpu.memory_space<vmem>> -> memref<1x128xi32, #tpu.memory_space<vmem>>
    %dma_start3A_9 = tpu.memref_squeeze %dma_start3A_8 : memref<1x128xi32, #tpu.memory_space<vmem>> -> memref<128xi32, #tpu.memory_space<vmem>>
    %dma_start3A_10 = arith.constant 0 : i32
    %dma_start3A_11 = tpu.memref_slice %arg3[%dma_start3A_10] : memref<1000000xf32, #tpu.memory_space<hbm>> -> memref<1000000xf32, #tpu.memory_space<hbm>>
    tpu.enqueue_indirect_dma source(%dma_start3A_11 : memref<1000000xf32, #tpu.memory_space<hbm>>) target(%dma_start3A_6 : memref<128xf32, #tpu.memory_space<vmem>>) offsets(%dma_start3A_9 : memref<128xi32, #tpu.memory_space<vmem>>) semaphore(%arg8 : memref<!tpu.dma_semaphore, #tpu.memory_space<semaphore_mem>>)
    %dma_start3A_12 = arith.constant 1 : i32
    %dma_start3A_13 = arith.constant 128 : i32
    %dma_start3A_14 = tpu.memref_slice %arg6[%dma_start3A_13] : memref<512xf32, #tpu.memory_space<vmem>> -> memref<128xf32, #tpu.memory_space<vmem>>
    %dma_start3A_15 = arith.constant 0 : i32
    %dma_start3A_16 = tpu.memref_slice %arg5[%dma_start3A_12, %dma_start3A_15] : memref<4x128xi32, #tpu.memory_space<vmem>> -> memref<1x128xi32, #tpu.memory_space<vmem>>
    %dma_start3A_17 = tpu.memref_squeeze %dma_start3A_16 : memref<1x128xi32, #tpu.memory_space<vmem>> -> memref<128xi32, #tpu.memory_space<vmem>>
    %dma_start3A_18 = arith.constant 0 : i32
    %dma_start3A_19 = tpu.memref_slice %arg3[%dma_start3A_18] : memref<1000000xf32, #tpu.memory_space<hbm>> -> memref<1000000xf32, #tpu.memory_space<hbm>>
    tpu.enqueue_indirect_dma source(%dma_start3A_19 : memref<1000000xf32, #tpu.memory_space<hbm>>) target(%dma_start3A_14 : memref<128xf32, #tpu.memory_space<vmem>>) offsets(%dma_start3A_17 : memref<128xi32, #tpu.memory_space<vmem>>) semaphore(%arg8 : memref<!tpu.dma_semaphore, #tpu.memory_space<semaphore_mem>>)
    %dma_start3A_20 = arith.constant 2 : i32
    %dma_start3A_21 = arith.constant 256 : i32
    %dma_start3A_22 = tpu.memref_slice %arg6[%dma_start3A_21] : memref<512xf32, #tpu.memory_space<vmem>> -> memref<128xf32, #tpu.memory_space<vmem>>
    %dma_start3A_23 = arith.constant 0 : i32
    %dma_start3A_24 = tpu.memref_slice %arg5[%dma_start3A_20, %dma_start3A_23] : memref<4x128xi32, #tpu.memory_space<vmem>> -> memref<1x128xi32, #tpu.memory_space<vmem>>
    %dma_start3A_25 = tpu.memref_squeeze %dma_start3A_24 : memref<1x128xi32, #tpu.memory_space<vmem>> -> memref<128xi32, #tpu.memory_space<vmem>>
    %dma_start3A_26 = arith.constant 0 : i32
    %dma_start3A_27 = tpu.memref_slice %arg3[%dma_start3A_26] : memref<1000000xf32, #tpu.memory_space<hbm>> -> memref<1000000xf32, #tpu.memory_space<hbm>>
    tpu.enqueue_indirect_dma source(%dma_start3A_27 : memref<1000000xf32, #tpu.memory_space<hbm>>) target(%dma_start3A_22 : memref<128xf32, #tpu.memory_space<vmem>>) offsets(%dma_start3A_25 : memref<128xi32, #tpu.memory_space<vmem>>) semaphore(%arg8 : memref<!tpu.dma_semaphore, #tpu.memory_space<semaphore_mem>>)
    %dma_start3A_28 = arith.constant 3 : i32
    %dma_start3A_29 = arith.constant 384 : i32
    %dma_start3A_30 = tpu.memref_slice %arg6[%dma_start3A_29] : memref<512xf32, #tpu.memory_space<vmem>> -> memref<128xf32, #tpu.memory_space<vmem>>
    %dma_start3A_31 = arith.constant 0 : i32
    %dma_start3A_32 = tpu.memref_slice %arg5[%dma_start3A_28, %dma_start3A_31] : memref<4x128xi32, #tpu.memory_space<vmem>> -> memref<1x128xi32, #tpu.memory_space<vmem>>
    %dma_start3A_33 = tpu.memref_squeeze %dma_start3A_32 : memref<1x128xi32, #tpu.memory_space<vmem>> -> memref<128xi32, #tpu.memory_space<vmem>>
    %dma_start3A_34 = arith.constant 0 : i32
    %dma_start3A_35 = tpu.memref_slice %arg3[%dma_start3A_34] : memref<1000000xf32, #tpu.memory_space<hbm>> -> memref<1000000xf32, #tpu.memory_space<hbm>>
    tpu.enqueue_indirect_dma source(%dma_start3A_35 : memref<1000000xf32, #tpu.memory_space<hbm>>) target(%dma_start3A_30 : memref<128xf32, #tpu.memory_space<vmem>>) offsets(%dma_start3A_33 : memref<128xi32, #tpu.memory_space<vmem>>) semaphore(%arg8 : memref<!tpu.dma_semaphore, #tpu.memory_space<semaphore_mem>>)
    %dma_wait3A = arith.constant 0 : i32
    %dma_wait3A_36 = arith.constant 0 : i32
    %dma_wait3A_37 = tpu.memref_slice %arg6[%dma_wait3A_36] : memref<512xf32, #tpu.memory_space<vmem>> -> memref<128xf32, #tpu.memory_space<vmem>>
    %dma_wait3A_38 = arith.constant 0 : i32
    %dma_wait3A_39 = tpu.memref_slice %arg5[%dma_wait3A, %dma_wait3A_38] : memref<4x128xi32, #tpu.memory_space<vmem>> -> memref<1x128xi32, #tpu.memory_space<vmem>>
    %dma_wait3A_40 = tpu.memref_squeeze %dma_wait3A_39 : memref<1x128xi32, #tpu.memory_space<vmem>> -> memref<128xi32, #tpu.memory_space<vmem>>
    %dma_wait3A_41 = arith.constant 0 : i32
    %dma_wait3A_42 = tpu.memref_slice %arg3[%dma_wait3A_41] : memref<1000000xf32, #tpu.memory_space<hbm>> -> memref<1000000xf32, #tpu.memory_space<hbm>>
    tpu.wait_indirect_dma semaphore(%arg8 : memref<!tpu.dma_semaphore, #tpu.memory_space<semaphore_mem>>) src(%dma_wait3A_42 : memref<1000000xf32, #tpu.memory_space<hbm>>) dst(%dma_wait3A_37 : memref<128xf32, #tpu.memory_space<vmem>>)
    %dma_wait3A_43 = arith.constant 1 : i32
    %dma_wait3A_44 = arith.constant 128 : i32
    %dma_wait3A_45 = tpu.memref_slice %arg6[%dma_wait3A_44] : memref<512xf32, #tpu.memory_space<vmem>> -> memref<128xf32, #tpu.memory_space<vmem>>
    %dma_wait3A_46 = arith.constant 0 : i32
    %dma_wait3A_47 = tpu.memref_slice %arg5[%dma_wait3A_43, %dma_wait3A_46] : memref<4x128xi32, #tpu.memory_space<vmem>> -> memref<1x128xi32, #tpu.memory_space<vmem>>
    %dma_wait3A_48 = tpu.memref_squeeze %dma_wait3A_47 : memref<1x128xi32, #tpu.memory_space<vmem>> -> memref<128xi32, #tpu.memory_space<vmem>>
    %dma_wait3A_49 = arith.constant 0 : i32
    %dma_wait3A_50 = tpu.memref_slice %arg3[%dma_wait3A_49] : memref<1000000xf32, #tpu.memory_space<hbm>> -> memref<1000000xf32, #tpu.memory_space<hbm>>
    tpu.wait_indirect_dma semaphore(%arg8 : memref<!tpu.dma_semaphore, #tpu.memory_space<semaphore_mem>>) src(%dma_wait3A_50 : memref<1000000xf32, #tpu.memory_space<hbm>>) dst(%dma_wait3A_45 : memref<128xf32, #tpu.memory_space<vmem>>)
    %dma_wait3A_51 = arith.constant 2 : i32
    %dma_wait3A_52 = arith.constant 256 : i32
    %dma_wait3A_53 = tpu.memref_slice %arg6[%dma_wait3A_52] : memref<512xf32, #tpu.memory_space<vmem>> -> memref<128xf32, #tpu.memory_space<vmem>>
    %dma_wait3A_54 = arith.constant 0 : i32
    %dma_wait3A_55 = tpu.memref_slice %arg5[%dma_wait3A_51, %dma_wait3A_54] : memref<4x128xi32, #tpu.memory_space<vmem>> -> memref<1x128xi32, #tpu.memory_space<vmem>>
    %dma_wait3A_56 = tpu.memref_squeeze %dma_wait3A_55 : memref<1x128xi32, #tpu.memory_space<vmem>> -> memref<128xi32, #tpu.memory_space<vmem>>
    %dma_wait3A_57 = arith.constant 0 : i32
    %dma_wait3A_58 = tpu.memref_slice %arg3[%dma_wait3A_57] : memref<1000000xf32, #tpu.memory_space<hbm>> -> memref<1000000xf32, #tpu.memory_space<hbm>>
    tpu.wait_indirect_dma semaphore(%arg8 : memref<!tpu.dma_semaphore, #tpu.memory_space<semaphore_mem>>) src(%dma_wait3A_58 : memref<1000000xf32, #tpu.memory_space<hbm>>) dst(%dma_wait3A_53 : memref<128xf32, #tpu.memory_space<vmem>>)
    %dma_wait3A_59 = arith.constant 3 : i32
    %dma_wait3A_60 = arith.constant 384 : i32
    %dma_wait3A_61 = tpu.memref_slice %arg6[%dma_wait3A_60] : memref<512xf32, #tpu.memory_space<vmem>> -> memref<128xf32, #tpu.memory_space<vmem>>
    %dma_wait3A_62 = arith.constant 0 : i32
    %dma_wait3A_63 = tpu.memref_slice %arg5[%dma_wait3A_59, %dma_wait3A_62] : memref<4x128xi32, #tpu.memory_space<vmem>> -> memref<1x128xi32, #tpu.memory_space<vmem>>
    %dma_wait3A_64 = tpu.memref_squeeze %dma_wait3A_63 : memref<1x128xi32, #tpu.memory_space<vmem>> -> memref<128xi32, #tpu.memory_space<vmem>>
    %dma_wait3A_65 = arith.constant 0 : i32
    %dma_wait3A_66 = tpu.memref_slice %arg3[%dma_wait3A_65] : memref<1000000xf32, #tpu.memory_space<hbm>> -> memref<1000000xf32, #tpu.memory_space<hbm>>
    tpu.wait_indirect_dma semaphore(%arg8 : memref<!tpu.dma_semaphore, #tpu.memory_space<semaphore_mem>>) src(%dma_wait3A_66 : memref<1000000xf32, #tpu.memory_space<hbm>>) dst(%dma_wait3A_61 : memref<128xf32, #tpu.memory_space<vmem>>)
    %scan3A = arith.constant 0 : i32
    %scan3A_67 = arith.constant 0 : i32
    %scan3A_68 = arith.constant 32 : i32
    %scan3A_69 = arith.addi %scan3A_67, %scan3A_68 : i32
    %scan3A_70 = arith.constant 1 : i32
    scf.for %scan3A_72 = %scan3A_67 to %scan3A_69 step %scan3A_70  : i32 {
      %mul3A_73 = arith.constant 16 : i32
      %mul3A_74 = arith.muli %scan3A_72, %mul3A_73 : i32
      %multiple_of3A = tpu.assume_multiple %mul3A_74, 16 : i32
      %get3A = arith.index_cast %multiple_of3A : i32 to index
      %get3A_75 = tpu.vector_load %arg6[%get3A] {strides = array<i32>} : memref<512xf32, #tpu.memory_space<vmem>>, vector<16xf32>,
      %neg3A = arith.constant 0.000000e+00 : f32
      %neg3A_76 = vector.broadcast %neg3A : f32 to vector<16xf32>
      %neg3A_77 = arith.subf %neg3A_76, %get3A_75 : vector<16xf32>
      %exp3A = math.exp %neg3A_77 : vector<16xf32>
      %add3A_78 = arith.constant 1.000000e+00 : f32
      %add3A_79 = vector.broadcast %add3A_78 : f32 to vector<16xf32>
      %add3A_80 = arith.addf %add3A_79, %exp3A : vector<16xf32>
      %div3A = arith.constant 1.000000e+00 : f32
      %div3A_81 = vector.broadcast %div3A : f32 to vector<16xf32>
      %div3A_82 = arith.divf %div3A_81, %add3A_80 : vector<16xf32>
      %swap3A = arith.index_cast %multiple_of3A : i32 to index
      %swap3A_83 = tpu.vector_load %arg7[%swap3A] {strides = array<i32>} : memref<512xf32, #tpu.memory_space<vmem>>, vector<16xf32>,
      tpu.vector_store %arg7[%swap3A], %div3A_82 {strides = array<i32>} : memref<512xf32, #tpu.memory_space<vmem>>, vector<16xf32>,
    }
    %scan3A_71 = arith.constant 32 : i32
    "tpu.region"() ({
      %run_scoped3A = tpu.sem_alloc : memref<!tpu.dma_semaphore, #tpu.memory_space<semaphore_mem>>
      %dma_start3A_72 = tpu.memref_slice %arg4[%mul3A_2] : memref<16384xf32, #tpu.memory_space<hbm>> -> memref<512xf32, #tpu.memory_space<hbm>>
      %dma_start3A_73 = tpu.memref_slice %arg4[%mul3A_2] : memref<16384xf32, #tpu.memory_space<hbm>> -> memref<512xf32, #tpu.memory_space<hbm>>
      tpu.enqueue_dma source(%arg7 : memref<512xf32, #tpu.memory_space<vmem>>) target(%dma_start3A_73 : memref<512xf32, #tpu.memory_space<hbm>>) target_semaphore(%run_scoped3A : memref<!tpu.dma_semaphore, #tpu.memory_space<semaphore_mem>>)
      %dma_wait3A_74 = tpu.memref_slice %arg4[%mul3A_2] : memref<16384xf32, #tpu.memory_space<hbm>> -> memref<512xf32, #tpu.memory_space<hbm>>
      %dma_wait3A_75 = tpu.memref_slice %arg4[%mul3A_2] : memref<16384xf32, #tpu.memory_space<hbm>> -> memref<512xf32, #tpu.memory_space<hbm>>
      tpu.wait_dma2 semaphore(%run_scoped3A : memref<!tpu.dma_semaphore, #tpu.memory_space<semaphore_mem>>) src(%arg7 : memref<512xf32, #tpu.memory_space<vmem>>) dst(%dma_wait3A_75 : memref<512xf32, #tpu.memory_space<hbm>>)
      tpu.yield
    }) : () -> ()
    return
  }
}

module attributes {stable_mosaic.version = 14 : i64} {
  func.func @_matvec_body(%arg0: i32, %arg1: memref<1x32xf32, #tpu.memory_space<vmem>>, %arg2: memref<32x65536xf32, #tpu.memory_space<vmem>>, %arg3: memref<65536xf32, #tpu.memory_space<vmem>>) attributes {dimension_semantics = [#tpu.dimension_semantics<arbitrary>], iteration_bounds = array<i64: 16>, scalar_prefetch = 0 : i64, scratch_operands = 0 : i64, tpu.core_type = #tpu.core_type<tc>, window_params = [{pipeline_mode = #tpu.pipeline_mode<synchronous>, transform_indices = @transform_0, window_bounds = array<i64: 1, 32>}, {transform_indices = @transform_1, window_bounds = array<i64: 32, 65536>}, {transform_indices = @transform_2, window_bounds = array<i64: 65536>}]} {
    %get3A = arith.constant 0 : index
    %get3A_0 = arith.constant 0 : index
    %get3A_1 = vector.load %arg1[%get3A, %get3A_0] : memref<1x32xf32, #tpu.memory_space<vmem>>, vector<1x32xf32>
    %get3A_2 = arith.constant 0 : index
    %get3A_3 = arith.constant 0 : index
    %get3A_4 = vector.load %arg2[%get3A_2, %get3A_3] : memref<32x65536xf32, #tpu.memory_space<vmem>>, vector<32x65536xf32>
    %dot_general3A = arith.constant dense<0.000000e+00> : vector<1x65536xf32>
    %dot_general3A_5 = tpu.matmul %get3A_1, %get3A_4, %dot_general3A {dimension_numbers = #tpu.dot_dimension_numbers<[1], [0], [0], [1], [0, 0, 1, 1], [], []>, transpose_lhs_hint = false} : vector<1x32xf32>, vector<32x65536xf32>, vector<1x65536xf32> -> vector<1x65536xf32>
    %reshape3A = vector.shape_cast %dot_general3A_5 : vector<1x65536xf32> to vector<65536xf32>
    %swap3A = arith.constant 0 : index
    %swap3A_6 = vector.load %arg3[%swap3A] : memref<65536xf32, #tpu.memory_space<vmem>>, vector<65536xf32>
    tpu.vector_store %arg3[%swap3A], %reshape3A {strides = array<i32>} : memref<65536xf32, #tpu.memory_space<vmem>>, vector<65536xf32>,
    return
  }
  func.func @transform_0(%arg0: i32) -> (i32, i32) {
    %c0_i32 = arith.constant 0 : i32
    %c0_i32_0 = arith.constant 0 : i32
    %c0_i32_1 = arith.constant 0 : i32
    return %c0_i32, %c0_i32_0 : i32, i32
  }
  func.func @transform_1(%arg0: i32) -> (i32, i32) {
    %c0_i32 = arith.constant 0 : i32
    %c0_i32_0 = arith.constant 0 : i32
    return %c0_i32, %arg0 : i32, i32
  }
  func.func @transform_2(%arg0: i32) -> i32 {
    %c0_i32 = arith.constant 0 : i32
    return %arg0 : i32
  }
}

</mosaic_0001>

<sc_bundles>
// kernel: kernel.4.cloned.1.call-start
scs
__scs_entry_jumppad:
0x0: {  	(pc) =	sbr.rel $0x88, $3  }
0x1: {  	(tag) =	ssettag $0x0;
	lr =	simm.s32 $0x1  }
0x2: {  	[smem:$0x3F9E] =	sst lr;
	_ =	strace $0xD0000000  }
0x3: {  	_ = 	snop  }
0x4: {  	_ = 	snop  }
0x5: {  	_ = 	snop  }
0x6: {  	_ = 	snop  }
0x7: {  	_ = 	snop  }
__scs_overlays_trampoline_lowered:
0x8: {  	[smem:$0x3FAD] =	sst s0  }
0x9: {  	[smem:$0x3FAE] =	sst s1  }
0xa: {  	[smem:$0x3FAF] =	sst s2  }
0xb: {  	[smem:$0x3FB0] =	sst s3  }
0xc: {  	[smem:$0x3FB1] =	sst s4  }
0xd: {  	[smem:$0x3FB2] =	sst s5  }
0xe: {  	[smem:$0x3FB3] =	sst s6  }
0xf: {  	[smem:$0x3FB4] =	sst s7  }
0x10: {  	[smem:$0x3FB5] =	sst s8  }
0x11: {  	[smem:$0x3FB6] =	sst s9;
	s0 =	simm.s32 @!p0 $0x0  }
0x12: {  	s1 =	sld [smem:$0x3F9C];
	s0 =	simm.s32 @p0 $0x1  }
0x13: {  	[smem:$0x3FB7] =	sst s0;
	s0 =	simm.s32 @!p1 $0x0  }
0x14: {  	s2 =	sld [smem:$0x3F9B];
	s0 =	simm.s32 @p1 $0x1  }
0x15: {  	[smem:$0x3FB8] =	sst s0;
	s0 =	simm.s32 @!p2 $0x0  }
0x16: {  	s3 =	sld [smem:$0x3FDB];
	s0 =	simm.s32 @p2 $0x1  }
0x17: {  	s4 =	simm.s32 $0x1BF5;
	[smem:$0x3FBA] =	sst s0  }
0x18: {  	s0 =	sld [smem:$0x3F9D];
	_ =	swait.ge [sflag:s4], $0x0  }
0x19: {  	s7 =	sld [smem:$0x3F9E]  }
0x1a: {  	s8 =	sadd.s32 $0xFFFFE003, lr  }
0x1b: {  	s9 =	sadd.s32 $0xFFFFFEF7, lr;
	s5 =	simm.s32 $0xFFFFFFFF;
	p2 =	slt.u32 s8, $0xFFFFF086  }
0x1c: {  	p1 =	slt.u32 s9, $0xF7A;
	s5 =	simm.s32 @!p2 $0x0  }
0x1d: {  	s5 =	simm.s32 @p1 $0x1;
	p0 =	seq.s32 s7, s2  }
0x1e: {  	s7 =	smul.u32 @!p0 $0xF7A, s2;
	p2 =	seq.s32 @!p0 s5, $0x0  }
0x1f: {  	s9 =	smul.u32 $0xF7A, s1;
	s8 =	simm.s32 @!p0 $0x1BF5;
	p2 =	por !p2, p0  }
0x20: {  	[sflag:s8] =	ssyncset.s32 @!p0 $0xFFFFF086;
	s6 =	sadd.s32 @!p0 s3, s7;
	s7 =	simm.s32 @!p0 $0x108  }
0x21: {  	s3 =	sadd.s32 s3, s9;
	s6 =	sadd.s32 @!p0 $0x88, s6;
	s7 =	simm.s32 @p2 $0x1082  }
0x22: {  	[simem:s7], [sflag:s8] =	dma.local @!p0 [hbm:s6], $0xF7A  }
0x23: {  	s9 =	sor.u32 $0xD0000000, s2;
	s6 =	simm.s32 $0x108;
	_ =	swait.ge @!p0 [sflag:s8], $0x0  }
0x24: {  	s3 =	sadd.s32 $0x88, s3;
	s6 =	simm.s32 @!p1 $0x1082;
	[sflag:s4] =	ssyncset.s32 $0xFFFFF086  }
0x25: {  	[simem:s6], [sflag:s4] =	dma.local [hbm:s3], $0xF7A  }
0x26: {  	[smem:$0x3F9E] =	sst s1;
	(tag) =	ssettag s2;
	_ =	strace s9  }
0x27: {  	s1 =	sld [smem:$0x3FAE]  }
0x28: {  	s2 =	sld [smem:$0x3FAF]  }
0x29: {  	s4 =	sld [smem:$0x3FB1]  }
0x2a: {  	p0 =	seq.s32 s5, $0x0;
	s5 =	sld [smem:$0x3FB2]  }
0x2b: {  	s6 =	sld [smem:$0x3FB3]  }
0x2c: {  	s7 =	sld [smem:$0x3FB4]  }
0x2d: {  	s3 =	simm.s32 $0x108;
	s8 =	sld [smem:$0x3FB5]  }
0x2e: {  	s3 =	simm.s32 @!p0 $0x1082;
	s9 =	sld [smem:$0x3FB6]  }
0x2f: {  	lr =	sadd.s32 s0, s3;
	s0 =	sld [smem:$0x3FAD]  }
0x30: {  	s3 =	sld [smem:$0x3FB0]  }
0x31: {  	[smem:$0x3FB9] =	sst s10  }
0x32: {  	s10 =	sld [smem:$0x3FB7];
	_ =	sdelay $0x3  }
0x33: {  	p0 =	seq.s32 s10, $0x1;
	s10 =	sld [smem:$0x3FB9];
	_ =	sdelay $0x3  }
0x34: {  	[smem:$0x3FB9] =	sst s10  }
0x35: {  	s10 =	sld [smem:$0x3FB8];
	_ =	sdelay $0x3  }
0x36: {  	p1 =	seq.s32 s10, $0x1;
	s10 =	sld [smem:$0x3FB9];
	_ =	sdelay $0x3  }
0x37: {  	[smem:$0x3FB9] =	sst s10  }
0x38: {  	s10 =	sld [smem:$0x3FBA]  }
0x39: {  	_ = 	snop;
	(pc) =	sbr.ind lr, $3  }
0x3a: {  	_ = 	snop  }
0x3b: {  	_ = 	snop  }
0x3c: {  	p2 =	seq.s32 s10, $0x1;
	s10 =	sld [smem:$0x3FB9]  }
0x3d: {  	_ =	shalt  }
0x3e: {  	_ =	shalt  }
0x3f: {  	_ =	shalt  }
0x40: {  	_ =	shalt  }
0x41: {  	_ =	shalt  }
0x42: {  	_ =	shalt  }
0x43: {  	_ =	shalt  }
0x44: {  	_ =	shalt  }
0x45: {  	_ =	shalt  }
0x46: {  	_ =	shalt  }
0x47: {  	_ =	shalt  }
0x48: {  	_ =	shalt  }
0x49: {  	_ =	shalt  }
0x4a: {  	_ =	shalt  }
0x4b: {  	_ =	shalt  }
0x4c: {  	_ =	shalt  }
0x4d: {  	_ =	shalt  }
0x4e: {  	_ =	shalt  }
0x4f: {  	_ =	shalt  }
0x50: {  	_ =	shalt  }
0x51: {  	_ =	shalt  }
0x52: {  	_ =	shalt  }
0x53: {  	_ =	shalt  }
0x54: {  	_ =	shalt  }
0x55: {  	_ =	shalt  }
0x56: {  	_ =	shalt  }
0x57: {  	_ =	shalt  }
0x58: {  	_ =	shalt  }
0x59: {  	_ =	shalt  }
0x5a: {  	_ =	shalt  }
0x5b: {  	_ =	shalt  }
0x5c: {  	_ =	shalt  }
0x5d: {  	_ =	shalt  }
0x5e: {  	_ =	shalt  }
0x5f: {  	_ =	shalt  }
0x60: {  	_ =	shalt  }
0x61: {  	_ =	shalt  }
0x62: {  	_ =	shalt  }
0x63: {  	_ =	shalt  }
0x64: {  	_ =	shalt  }
0x65: {  	_ =	shalt  }
0x66: {  	_ =	shalt  }
0x67: {  	_ =	shalt  }
0x68: {  	_ =	shalt  }
0x69: {  	_ =	shalt  }
0x6a: {  	_ =	shalt  }
0x6b: {  	_ =	shalt  }
0x6c: {  	_ =	shalt  }
0x6d: {  	_ =	shalt  }
0x6e: {  	_ =	shalt  }
0x6f: {  	_ =	shalt  }
0x70: {  	_ =	shalt  }
0x71: {  	_ =	shalt  }
0x72: {  	_ =	shalt  }
0x73: {  	_ =	shalt  }
0x74: {  	_ =	shalt  }
0x75: {  	_ =	shalt  }
0x76: {  	_ =	shalt  }
0x77: {  	_ =	shalt  }
0x78: {  	_ =	shalt  }
0x79: {  	_ =	shalt  }
0x7a: {  	_ =	shalt  }
0x7b: {  	_ =	shalt  }
0x7c: {  	_ =	shalt  }
0x7d: {  	_ =	shalt  }
0x7e: {  	_ =	shalt  }
0x7f: {  	_ =	shalt  }
0x80: {  	_ =	shalt  }
0x81: {  	_ =	shalt  }
0x82: {  	_ =	shalt  }
0x83: {  	_ =	shalt  }
0x84: {  	_ =	shalt  }
0x85: {  	_ =	shalt  }
0x86: {  	_ =	shalt  }
0x87: {  	_ =	shalt  }
.Lfunc_end0:
.L_simem_size_0:
called_computation_lowered:
.L_overlay_start_0:
0x88: {  	s2 =	sld [smem:$0x3FD9]  }
0x89: {  	s3 =	sld [smem:$0x3FFE];
	_ =	sdelay $0x1  }
0x8a: {  	s1 =	srdreg.scid  }
0x8b: {  	s0 =	sand.u32 $0x1, s1  }
0x8c: {  	s17 =	sshll.u32 s0, $0xA;
	s2 =	sadd.s32 s3, s2  }
0x8d: {  	s2 =	sadd.s32 s2, s17  }
0x8e: {  	[smem:$0x3FC5] =	sst s2  }
0x8f: {  	_ = 	snop  }
0x90: {  	s2 =	sld [smem:$0x3FC9]  }
0x91: {  	s18 =	sld [smem:$0x3FD0];
	(tm) =	ssettm $0x1  }
0x92: {  	s4 =	sld [smem:$0x3FFB];
	_ =	sdelay $0x3  }
0x93: {  	_ =	strace s4  }
0x94: {  	s4 =	sld [smem:$0x3FFC];
	_ =	sdelay $0x3  }
0x95: {  	_ =	strace s4  }
0x96: {  	s4 =	sld [smem:$0x3FFD];
	_ =	sdelay $0x3  }
0x97: {  	_ =	strace s4  }
0x98: {  	_ =	strace $0x8FFFFFFF  }
0x99: {  	s19 =	sld [smem:$0x3FDB];
	_ =	sdelay $0x1  }
0x9a: {  	s5 =	simm.s32 $_scs_section_size  }
0x9b: {  	s6 =	simm.s32 $_size__tile_overlayer_lowered;
	s7 =	simm.s32 $_tile_overlayer_lowered  }
0x9c: {  	s22 =	simm.s32 $0x1BFF;
	s21 =	sshll.u32 s7, $0x1;
	s4 =	sadd.s32 s5, s19  }
0x9d: {  	s8 =	simm.s32 $0x0;
	s20 =	sshll.u32 s6, $0x1;
	s6 =	sadd.s32 s21, s4  }
0x9e: {  	[timem:s8], [sflag:s22] =	dma.local [hbm:s6], s20  }
0x9f: {  	_ =	swait.ge [sflag:s22], s20  }
0xa0: {  	s5 =	ssub.s32 $0x0, s20;
	[sflag:s22] =	ssyncset.done $0x0  }
0xa1: {  	[sflag:s22] =	ssyncadd.s32 s5;
	_ =	sdelay $0x1  }
0xa2: {  	s23 =	simm.s32 $0x1B8B  }
0xa3: {  	_ =	swait.ge [sflag:s23], $0x1  }
0xa4: {  	[sflag:s23] =	ssyncset.done $0x0  }
0xa5: {  	s25 =	simm.s32 $0x1B8E;
	s24 =	sld [smem:$0x3FFE];
	[sflag:s23] =	ssyncadd.s32 $0xFFFFFFFF  }
0xa6: {  	s26 =	simm.s32 $execute0_lowered;
	[smem:$0x3FD2] =	sst s25  }
0xa7: {  	s6 =	sshll.u32 s26, $0x1;
	_ =	strace $0x80000046;
	[dreg:$0x1] =	wrdreg $0xFFFFFFFF  }
0xa8: {  	s28 =	simm.s32 $_size_execute0_lowered;
	s4 =	sadd.s32 s4, s6;
	[dreg:$0x0] =	wrdreg $0x0  }
0xa9: {  	s6 =	sshll.u32 s28, $0x1;
	[dreg:$0x2] =	wrdreg s4  }
0xaa: {  	[dreg:$0x3] =	wrdreg s6  }
0xab: {  	[dreg:$0x4] =	wrdreg $0xC0  }
0xac: {  	_ =	task [dreg:s8], $0x5FFFF  }
0xad: {  	[dreg:$0x1] =	wrdreg $0xFFFFFFFF  }
0xae: {  	[dreg:$0x0] =	wrdreg $0x60  }
0xaf: {  	[dreg:$0x2] =	wrdreg s2  }
0xb0: {  	[dreg:$0x3] =	wrdreg s24  }
0xb1: {  	[dreg:$0x4] =	wrdreg s18  }
0xb2: {  	[dreg:$0x5] =	wrdreg $0x9  }
0xb3: {  	_ =	task.clear_ibuf [dreg:s8], $0x6FFFF;
	_ =	strace $0x90000046  }
0xb4: {  	s29 =	simm.s32 $0x9;
	_ =	strace $0x80000048  }
0xb5: {  	_ =	swait.ge [sflag:s29], $0x1  }
0xb6: {  	[sflag:s29] =	ssyncadd.s32 $0xFFFFFFFF  }
0xb7: {  	_ =	strace $0x90000048  }
0xb8: {  	_ =	sfence  }
0xb9: {  	s30 =	sld [smem:$0x0];
	_ =	sdelay $0x2  }
0xba: {  	s31 =	sshll.u32 s1, $0xD;
	s1 =	sshrl.u32 s1, $0x2  }
0xbb: {  	s3 =	sand.u32 $0x4000, s31;
	s1 =	sadd.s32 s1, s30  }
0xbc: {  	s0 =	sor.u32 s3, s0;
	s1 =	sshll.u32 s1, $0x11  }
0xbd: {  	s0 =	sor.u32 s1, s0  }
0xbe: {  	s0 =	sadd.s32 $0x8F2B, s0  }
0xbf: {  	[sflag:s0] =	ssyncadd.remote.s32 $0x1  }
0xc0: {  	_ =	sfence.sel $0xFFFF  }
0xc1: {  	[dreg:$0x0] =	wrdreg $0xFFFFFFFF;
	(pc) =	sbr.abs _section_cstart, $3  }
0xc2: {  	[dreg:$0x1] =	wrdreg $0xFFFFFFFF  }
0xc3: {  	_ =	task.clear_ibuf [dreg:s8], $0x2FFFF;
	_ =	strace $0x9FFFFFFF  }
0xc4: {  	(tm) =	ssettm $0x7FFFFFFF  }
0xc5: {  	_ =	shalt  }
tec
execute0_lowered:
.L_overlay_start_1:
0x0: {  	(tag) =	ssettag $0x1  }
0x1: {  	s4 =	rddreg [dreg:$0x0]  }
0x2: {  	s3 =	rddreg [dreg:$0x1]  }
0x3: {  	s5 =	rddreg [dreg:$0x2]  }
0x4: {  	s0 =	rddreg [dreg:$0x3]  }
0x5: {  	s2 =	simm.s32 $0x0;
	s6 =	srdreg.scid;
	s1 =	stileid.u32  }
0x6: {  	s10 =	simm.s32 $0x280;
	s11 =	simm.s32 $0x100;
	s12 =	simm.s32 $0x300  }
0x7: {  	s13 =	simm.s32 $0x180;
	s14 =	simm.s32 $0x380;
	s15 =	simm.s32 $0x1  }
0x8: {  	s16 =	simm.s32 $0x400;
	s17 =	simm.s32 $0x0;
	[smem:$0x7FF] =	sst s2  }
0x9: {  	s6 =	sand.u32 $0x1, s6;
	s8 =	sshll.u32 s1, $0x7;
	s3 =	sadd.s32 $0x800, s3  }
0xa: {  	_ =	strace $0x80000047;
	s7 =	ssub.s32 $0x2, s6;
	s6 =	sshll.u32 s6, $0x6  }
0xb: {  	s9 =	sshrl.u32 s7, $0x1;
	s6 =	sor.u32 s6, s8;
	s8 =	simm.s32 $0x80  }
0xc: {  	s7 =	ssub.s32 s7, s9;
	s4 =	sadd.s32 s4, s6;
	s5 =	sadd.s32 s5, s6  }
0xd: {  	s9 =	simm.s32 $0x200;
	s6 =	smax.u32 s7, $0x1;
	s7 =	simm.s32 $0x2  }
.LBB2_1:
0xe: {  	[tilespmem:s2], [sflag:$0x2] =	stream.linear.gather [hbm4b:s4+s2], $0x200, $0x38;
	[tilespmem:$0x600] =	vst v63  }
0xf: {  	_ =	swait.ge [sflag:s7], $0x200  }
0x10: {  	[sflag:s7] =	ssyncset.done $0x0  }
0x11: {  	[sflag:s7] =	ssyncadd.s32 $0xFFFFFE00  }
0x12: {  	[tilespmem:s9], [sflag:$0x1] =	stream.indirect.gather [hbm4b:s3+s8], $0x1, s2, s8, $0xb8;
	[tilespmem:$0x600] =	vst v63  }
0x13: {  	_ = 	snop  }
0x14: {  	[tilespmem:s10], [sflag:$0x1] =	stream.indirect.gather [hbm4b:s3+s8], $0x1, s8, s8, $0xb8;
	[tilespmem:$0x600] =	vst v63  }
0x15: {  	_ = 	snop  }
0x16: {  	[tilespmem:s12], [sflag:$0x1] =	stream.indirect.gather [hbm4b:s3+s8], $0x1, s11, s8, $0xb8;
	[tilespmem:$0x600] =	vst v63  }
0x17: {  	_ = 	snop  }
0x18: {  	[tilespmem:s14], [sflag:$0x1] =	stream.indirect.gather [hbm4b:s3+s8], $0x1, s13, s8, $0xb8;
	[tilespmem:$0x600] =	vst v63  }
0x19: {  	_ =	swait.ge [sflag:s15], $0x80  }
0x1a: {  	[sflag:s15] =	ssyncset.done $0x0  }
0x1b: {  	[sflag:s15] =	ssyncadd.s32 $0xFFFFFF80  }
0x1c: {  	_ =	swait.ge [sflag:s15], $0x80  }
0x1d: {  	[sflag:s15] =	ssyncset.done $0x0  }
0x1e: {  	[sflag:s15] =	ssyncadd.s32 $0xFFFFFF80  }
0x1f: {  	_ =	swait.ge [sflag:s15], $0x80  }
0x20: {  	[sflag:s15] =	ssyncset.done $0x0  }
0x21: {  	[sflag:s15] =	ssyncadd.s32 $0xFFFFFF80  }
0x22: {  	_ =	swait.ge [sflag:s15], $0x80  }
0x23: {  	[sflag:s15] =	ssyncset.done $0x0  }
0x24: {  	s18 =	simm.s32 $0x0;
	[sflag:s15] =	ssyncadd.s32 $0xFFFFFF80  }
0x25: {  	v0 =	vld [tilespmem:s18+$0x200];
	_ =	sdelay $0x1  }
0x26: {  	s19 =	simm.s32 $0x10  }
0x27: {  	v1 =	vld [tilespmem:s19+$0x200];
	_ =	sdelay $0x1  }
0x28: {  	v0 =	vsub.f32 $0.0e+00, v0;
	_ =	sdelay $0x1  }
0x29: {  	v0 =	vmul.f32 $1.442695020e+00, v0  }
0x2a: {  	v1 =	vsub.f32 $0.0e+00, v1  }
0x2b: {  	s20 =	simm.s32 $0x20;
	(erf) = vpow2.f32 v0  }
0x2c: {  	v0 =	vmul.f32 $1.442695020e+00, v1;
	v1 =	vld [tilespmem:s20+$0x200];
	_ =	sdelay $0x1  }
0x2d: {  	(erf) = vpow2.f32 v0  }
0x2e: {  	s21 =	simm.s32 $0x30  }
0x2f: {  	v0 =	vld [tilespmem:s21+$0x200]  }
0x30: {  	v1 =	vsub.f32 $0.0e+00, v1;
	_ =	sdelay $0x1  }
0x31: {  	v1 =	vmul.f32 $1.442695020e+00, v1  }
0x32: {  	v2 =	vpop (erf)  }
0x33: {  	v0 =	vsub.f32 $0.0e+00, v0;
	v2 =	vadd.f32 $1.000000000e+00, v2  }
0x34: {  	(erf) = vpow2.f32 v1  }
0x35: {  	v0 =	vmul.f32 $1.442695020e+00, v0;
	v1 =	vpop (erf);
	(erf) = vrcp.f32 v2  }
0x36: {  	s22 =	simm.s32 $0x40;
	v1 =	vadd.f32 $1.000000000e+00, v1  }
0x37: {  	(erf) = vpow2.f32 v0;
	v0 =	vld [tilespmem:s22+$0x200]  }
0x38: {  	(erf) = vrcp.f32 v1;
	_ =	sdelay $0x2  }
0x39: {  	s23 =	simm.s32 $0x140  }
.LBB2_2:
0x3a: {  	s24 =	sshra.s32 s23, $0x2;
	v1 =	vsub.f32 $0.0e+00, v0;
	p0 =	sne.s32 s23, $0x7C0  }
.Ltmp0:
0x3b: {  	s23 =	sadd.s32 $0x40, s23;
	v0 =	vld [tilespmem:s24+$0x200];
	v2 =	vpop (erf);
	(pc) =	sbr.rel @p0 .LBB2_2-.Ltmp0, $4  }
0x3c: {  	v1 =	vmul.f32 $1.442695020e+00, v1;
	v3 =	vpop (erf)  }
0x3d: {  	v2 =	vadd.f32 $1.000000000e+00, v2;
	[tilespmem:s18+$0x400] =	vst v3;
	s18 =	smov.u32 s19;
	s19 =	smov.u32 s20;
	s20 =	smov.u32 s21  }
0x3e: {  	s21 =	smov.u32 s22;
	s22 =	smov.u32 s24;
	(erf) = vpow2.f32 v1  }
0x3f: {  	(erf) = vrcp.f32 v2  }
0x40: {  	v0 =	vsub.f32 $0.0e+00, v0;
	_ =	sdelay $0x1  }
0x41: {  	v0 =	vmul.f32 $1.442695020e+00, v0;
	_ =	sdelay $0x1  }
0x42: {  	(erf) = vpow2.f32 v0;
	_ =	sdelay $0x4  }
0x43: {  	v59 =	vpop (erf)  }
0x44: {  	v1 =	vpop (erf)  }
0x45: {  	v2 =	vpop (erf)  }
0x46: {  	v0 =	vadd.f32 $1.000000000e+00, v59;
	v3 =	vpop (erf)  }
0x47: {  	v2 =	vadd.f32 $1.000000000e+00, v2;
	v4 =	vpop (erf)  }
0x48: {  	(erf) = vrcp.f32 v0;
	v60 =	vadd.f32 $1.000000000e+00, v4  }
0x49: {  	(erf) = vrcp.f32 v2  }
0x4a: {  	(erf) = vrcp.f32 v60;
	_ =	sdelay $0x5  }
0x4b: {  	[tilespmem:s18+$0x400] =	vst v1  }
0x4c: {  	[tilespmem:s19+$0x400] =	vst v3;
	v61 =	vpop (erf)  }
0x4d: {  	s17 =	sadd.s32 $0x1, s17;
	[tilespmem:s20+$0x400] =	vst v61;
	v62 =	vpop (erf)  }
0x4e: {  	p0 =	sne.s32 s17, s6;
	[tilespmem:s21+$0x400] =	vst v62;
	v63 =	vpop (erf)  }
.Ltmp1:
0x4f: {  	[tilespmem:s22+$0x400] =	vst v63;
	(pc) =	sbr.rel @p0 .LBB2_1-.Ltmp1, $4  }
0x50: {  	[hbm4b:s5+s2] =	stream.linear.scatter [tilespmem:s16], [sflag:$0x2], $0x200, $0x38;
	[tilespmem:$0x600] =	vst v63  }
0x51: {  	_ =	swait.ge [sflag:s7], $0x200  }
0x52: {  	[sflag:s7] =	ssyncset.done $0x0  }
0x53: {  	[sflag:s7] =	ssyncadd.s32 $0xFFFFFE00  }
0x54: {  	_ =	sfence.sel $0x180000  }
0x55: {  	[bflag:$0x0] =	sbarrier.arrive $0xFFFF  }
0x56: {  	p0 =	sne.s32 s1, $0x0;
	_ =	strace $0x90000047  }
0x57: {  	s0 =	sadd.s32 @!p0 $0x100000, s0;
	[bflag:$0x2] =	sbarrier.arrive $0xFFFF  }
0x58: {  	[sflag:s0] =	ssyncadd.tile.s32 @!p0 $0x1;
	_ =	shalt  }
.Lfunc_end2:
_tile_overlayer_lowered:
.L_overlay_start_2:
0x59: {  	(tag) =	ssettag $0x2  }
0x5a: {  	s0 =	rddreg [dreg:$0x0];
	s2 =	stileid.u32  }
0x5b: {  	s1 =	rddreg [dreg:$0x1];
	p0 =	sne.s32 s2, $0x0  }
0x5c: {  	s3 =	rddreg [dreg:$0x2];
	[bflag:$0x3] =	sbarrier.arrive $0xFFFF;
	s2 =	simm.s32 @!p0 $0x1C02  }
0x5d: {  	[timem:s3], [sflag:s2] =	dma.local @!p0 [hbm:s0], s1  }
0x5e: {  	s0 =	simm.s32 @!p0 $0x2  }
0x5f: {  	_ =	swait.ge @!p0 [sflag:s0], s1  }
0x60: {  	s1 =	ssub.s32 @!p0 $0x0, s1;
	[sflag:s0] =	ssyncset.done @!p0 $0x0  }
0x61: {  	[sflag:s0] =	ssyncadd.s32 @!p0 s1  }
0x62: {  	[bflag:$0x3] =	sbarrier.arrive $0xFFFF  }
0x63: {  	_ =	shalt  }

</sc_bundles>
